<compile_context>
chip_gen: v7x
topology: tpu7x:2x2x1
jax: 0.10.2.dev20260603
libtpu: 0.0.44.dev20260713+nightly
codegen_flags: <defaults>
</compile_context>

<pallas_src>
import functools

import jax
import jax.numpy as jnp
from jax.experimental import pallas as pl
from jax.experimental.pallas import tpu as pltpu
from jax.experimental.pallas import tpu_sc as plsc

_N = 160000
_D = 128
_M = 1024
_B = 8000
_NB = _N // _B

_NW = 32
_GRP = 40
_BATCH = 128
_CHUNK = _GRP * _BATCH
_NPAD = _NW * _CHUNK
_TAIL = _N - (_NW - 1) * _CHUNK
_f32 = jnp.float32
_i32 = jnp.int32


def _tc_body(f0_ref, f1_ref, w0_ref, w1_ref, vals_ref):
    p0 = jax.lax.dot_general(
        f0_ref[0].astype(jnp.bfloat16), w0_ref[...],
        (((1,), (0,)), ((), ())), preferred_element_type=_f32)
    p1 = jax.lax.dot_general(
        f1_ref[0].astype(jnp.bfloat16), w1_ref[...],
        (((1,), (0,)), ((), ())), preferred_element_type=_f32)
    vals_ref[...] = p0 + p1


def _run_tc(feats, w0p, w1p):
    return pl.pallas_call(
        _tc_body,
        grid=(_NB,),
        in_specs=[
            pl.BlockSpec((1, _B, _D), lambda i: (0, i, 0)),
            pl.BlockSpec((1, _B, _D), lambda i: (1, i, 0)),
            pl.BlockSpec((_D, 8), lambda i: (0, 0)),
            pl.BlockSpec((_D, 8), lambda i: (0, 0)),
        ],
        out_specs=pl.BlockSpec((_B, 8), lambda i: (i, 0)),
        out_shape=jax.ShapeDtypeStruct((_NPAD, 8), _f32),
    )(feats, feats, w0p, w1p)


def _sc_body(vals_hbm, mol_hbm, db_hbm, zeros_hbm,
             part_hbm, atomen_hbm, ahier_hbm,
             idx_v, vals_v, atomen_v, ahier_v, db_v, acc_sh):
    c = jax.lax.axis_index("c")
    s = jax.lax.axis_index("s")
    wid = s * 2 + c
    base = wid * _CHUNK
    pltpu.sync_copy(mol_hbm.at[wid], idx_v)
    pltpu.sync_copy(vals_hbm.at[pl.ds(base, _CHUNK)], vals_v)
    pltpu.sync_copy(db_hbm, db_v)

    @pl.when(s == 0)
    def _zero():
        pltpu.sync_copy(zeros_hbm, acc_sh)

    dep = db_v[0]
    b1 = db_v[1]
    lanes = jax.lax.iota(_i32, 16)
    col0 = jnp.zeros((16,), _i32)

    def _atom(i, carry):
        rows = i * 16 + lanes
        pe0 = plsc.load_gather(vals_v, [rows, col0]) + dep
        pe1 = plsc.load_gather(vals_v, [rows, col0 + 1]) + b1
        e0s = pe0 * pe0
        e1s = pe1 * pe1
        den = e0s + e1s
        hier = e1s / den
        atomen_v[pl.ds(i * 16, 16)] = pe0 + pe1
        ahier_v[pl.ds(i * 16, 16)] = hier
        plsc.store_scatter(vals_v, [rows, col0], pe0)
        plsc.store_scatter(vals_v, [rows, col0 + 1], pe1)
        plsc.store_scatter(vals_v, [rows, col0 + 2], hier)
        plsc.store_scatter(vals_v, [rows, col0 + 3], e1s)
        plsc.store_scatter(vals_v, [rows, col0 + 4], den)
        return carry

    jax.lax.fori_loop(0, _CHUNK // 16, _atom, 0)

    @pl.when(wid != _NW - 1)
    def _full_rows():
        pltpu.sync_copy(atomen_v, atomen_hbm.at[pl.ds(base, _CHUNK)])
        pltpu.sync_copy(ahier_v, ahier_hbm.at[pl.ds(base, _CHUNK)])

    @pl.when(wid == _NW - 1)
    def _tail_rows():
        pltpu.sync_copy(atomen_v.at[pl.ds(0, _TAIL)],
                        atomen_hbm.at[pl.ds(base, _TAIL)])
        pltpu.sync_copy(ahier_v.at[pl.ds(0, _TAIL)],
                        ahier_hbm.at[pl.ds(base, _TAIL)])

    plsc.subcore_barrier()

    def _grp(g, carry):
        pltpu.sync_copy(vals_v.at[pl.ds(g * _BATCH, _BATCH)],
                        acc_sh.at[idx_v.at[g]], add=True)
        return carry

    jax.lax.fori_loop(0, _GRP, _grp, 0)
    plsc.subcore_barrier()

    @pl.when(s == 0)
    def _flush():
        pltpu.sync_copy(acc_sh.at[pl.ds(0, _M)], part_hbm.at[c])


_sc_segsum = functools.partial(
    pl.kernel,
    out_type=[
        jax.ShapeDtypeStruct((2, _M, 8), _f32),
        jax.ShapeDtypeStruct((_N,), _f32),
        jax.ShapeDtypeStruct((_N,), _f32),
    ],
    mesh=plsc.VectorSubcoreMesh(core_axis_name="c", subcore_axis_name="s"),
    compiler_params=pltpu.CompilerParams(use_tc_tiling_on_sc=False,
                                         needs_layout_passes=False),
    scratch_types=[
        pltpu.VMEM((_GRP, _BATCH), _i32),
        pltpu.VMEM((_CHUNK, 8), _f32),
        pltpu.VMEM((_CHUNK,), _f32),
        pltpu.VMEM((_CHUNK,), _f32),
        pltpu.VMEM((2, 16), _f32),
        pltpu.VMEM_SHARED((_M + 1, 8), _f32),
    ],
)(_sc_body)


def _fin_body(part_ref, te_ref, p0_ref, p1_ref, th_ref, mh_ref, bh_ref):
    p = part_ref[0] + part_ref[1]
    t0 = p[:, 0:1]
    t1 = p[:, 1:2]
    te_ref[...] = t0 + t1
    p0_ref[...] = t0
    p1_ref[...] = t0 + t1
    th_ref[...] = p[:, 2:3]
    mh_ref[...] = p[:, 3:4] / p[:, 4:5]
    bh_ref[...] = (jnp.sum(p[:, 3:4], keepdims=True) /
                   jnp.sum(p[:, 4:5], keepdims=True))


def _run_fin(partials):
    m1 = [jax.ShapeDtypeStruct((_M, 1), _f32)] * 5
    return pl.pallas_call(
        _fin_body,
        out_shape=m1 + [jax.ShapeDtypeStruct((1, 1), _f32)],
    )(partials)


def kernel(all_features, mol_index, n_molecules, W0, W1, b1):
    mol = mol_index.astype(_i32)
    mol3 = jnp.concatenate(
        [mol, jnp.full((_NPAD - _N,), _M, _i32)]).reshape(_NW, _GRP, _BATCH)
    zeros = jnp.zeros((_M + 1, 8), _f32)
    dep = (jnp.asarray(n_molecules, _i32) - _M).astype(_f32)
    db = jnp.stack([jnp.full((16,), dep, _f32),
                    jnp.full((16,), b1[0].astype(_f32), _f32)])
    w0p = jnp.zeros((_D, 8), jnp.bfloat16).at[:, 0].set(
        W0[0].astype(jnp.bfloat16))
    w1p = jnp.zeros((_D, 8), jnp.bfloat16).at[:, 1].set(
        W1[0].astype(jnp.bfloat16))
    vals = _run_tc(all_features, w0p, w1p)
    partials, atomen, ahier = _sc_segsum(vals, mol3, db, zeros)
    te, p0, p1, th, mh, bh = _run_fin(partials)
    atomen = atomen.reshape(_N, 1)
    ahier = ahier.reshape(_N, 1)
    return (te, atomen, (p0, p1), th, ahier, mh, jnp.reshape(bh, ()))

# --- scband reference (transcript-rebuilt; emitter-appended) ---
"""Pipeline reference for scband-henergy-549755813993 (READ-ONLY COPY).

The authoritative reference and input builder live on the scoring server;
editing this copy changes nothing except your own understanding.
"""

import jax, jax.numpy as jnp
import numpy as np

N_ATOMS = 160000
N_MOL = 1024
D = 128


def _segsum(x, idx, n_seg):
    return jax.ops.segment_sum(x, idx, num_segments=n_seg)


def setup_inputs(seed: int = 0) -> dict:
    key = jax.random.key(seed)
    k1, k2, k3, k4, k5 = jax.random.split(key, 5)
    all_features = jax.random.normal(k1, (2, N_ATOMS, D), dtype=jnp.float32)
    mol_index = jnp.sort(jax.random.randint(k2, (N_ATOMS,), 0, N_MOL, dtype=jnp.int32))
    # Learned params: layer0 Linear(128->1, bias=False), layer1 Linear(128->1, bias=True)
    W0 = jax.random.normal(k3, (1, D), dtype=jnp.float32) * 0.05
    W1 = jax.random.normal(k4, (1, D), dtype=jnp.float32) * 0.05
    b1 = jax.random.normal(k5, (1,), dtype=jnp.float32) * 0.05
    return {
        'all_features': all_features,
        'mol_index': mol_index,
        'n_molecules': N_MOL,
        'W0': W0,
        'W1': W1,
        'b1': b1,
    }


def reference(all_features, mol_index, n_molecules, W0, W1, b1):
    mol_index = mol_index.astype(jnp.int32)
    n_seg = N_MOL
    dep = (jnp.asarray(n_molecules, dtype=jnp.int32) - N_MOL).astype(jnp.float32)
    # per-term linear layers: layer0 no bias, layer1 with bias
    pe0 = all_features[0] @ W0.T + dep    # [N, 1]
    pe1 = all_features[1] @ W1.T + b1     # [N, 1]
    partial_energies = [pe0, pe1]
    partial_terms = [_segsum(x, mol_index, n_seg) for x in partial_energies]
    partial_sums = [partial_terms[0]]
    z = partial_terms[0]
    for x in partial_terms[1:]:
        z = x + z
        partial_sums.append(z)
    total_atomen = pe0 + pe1
    total_energies = _segsum(total_atomen, mol_index, n_seg)
    # n_terms = 2 > 1 branch
    partial_esq = [jnp.square(pe0), jnp.square(pe1)]
    partial_atom_hier = [x / (x + y) for x, y in zip(partial_esq[1:], partial_esq[:-1])]
    mol_hier_terms = [
        _segsum(x, mol_index, n_seg) / _segsum(x + y, mol_index, n_seg)
        for x, y in zip(partial_esq[1:], partial_esq[:-1])
    ]
    mol_hier = sum(mol_hier_terms)
    partial_batch_hier = [x.sum() / (x.sum() + y.sum()) for x, y in zip(partial_esq[1:], partial_esq[:-1])]
    batch_hier = sum(partial_batch_hier)
    total_atom_hier = sum(partial_atom_hier)
    total_hier = _segsum(total_atom_hier, mol_index, n_seg)
    return (total_energies, total_atomen, tuple(partial_sums), total_hier, total_atom_hier, mol_hier, batch_hier)

if __name__ == "__main__":
    import jax
    _d = setup_inputs()
    print(jax.jit(kernel)(*tuple(_d.values())))

</pallas_src>

<mosaic_0001>
#map = affine_map<(d0, d1) -> (0, 0)>
#map1 = affine_map<(d0, d1) -> (0, 0, 0)>
#map2 = affine_map<(d0, d1) -> (0)>
module attributes {stable_mosaic.version = 14 : i64} {
  func.func @_sc_body(%arg0: i32, %arg1: i32, %arg2: memref<163840x8xf32, #tpu.memory_space<hbm>>, %arg3: memref<32x40x128xi32, #tpu.memory_space<hbm>>, %arg4: memref<2x16xf32, #tpu.memory_space<hbm>>, %arg5: memref<1025x8xf32, #tpu.memory_space<hbm>>, %arg6: memref<2x1024x8xf32, #tpu.memory_space<hbm>>, %arg7: memref<160000xf32, #tpu.memory_space<hbm>>, %arg8: memref<160000xf32, #tpu.memory_space<hbm>>, %arg9: memref<40x128xi32, #tpu.memory_space<vmem>>, %arg10: memref<5120x8xf32, #tpu.memory_space<vmem>>, %arg11: memref<5120xf32, #tpu.memory_space<vmem>>, %arg12: memref<5120xf32, #tpu.memory_space<vmem>>, %arg13: memref<2x16xf32, #tpu.memory_space<vmem>>, %arg14: memref<1025x8xf32, #tpu.memory_space<vmem_shared>>) attributes {dimension_semantics = [#tpu.dimension_semantics<core_parallel>, #tpu.dimension_semantics<subcore_parallel>], iteration_bounds = array<i64: 2, 16>, scalar_prefetch = 0 : i64, scratch_operands = 6 : i64, tpu.core_type = #tpu.core_type<sc_vector_subcore>, window_params = [{transform_indices = #map}, {transform_indices = #map1}, {transform_indices = #map}, {transform_indices = #map}, {transform_indices = #map1}, {transform_indices = #map2}, {transform_indices = #map2}]} {
    %mul3A = arith.constant 2 : i32
    %mul3A_0 = arith.muli %arg1, %mul3A : i32
    %add3A = arith.addi %mul3A_0, %arg0 : i32
    %mul3A_1 = arith.constant 5120 : i32
    %mul3A_2 = arith.muli %add3A, %mul3A_1 : i32
    "tpu.region"() ({
      %run_scoped3A = tpu.sem_alloc : memref<!tpu.dma_semaphore, #tpu.memory_space<semaphore_mem>>
      %dma_start3A = arith.constant 0 : i32
      %dma_start3A_39 = arith.constant 0 : i32
      %dma_start3A_40 = tpu.memref_slice %arg3[%add3A, %dma_start3A, %dma_start3A_39] : memref<32x40x128xi32, #tpu.memory_space<hbm>> -> memref<1x40x128xi32, #tpu.memory_space<hbm>>
      %dma_start3A_41 = tpu.memref_squeeze %dma_start3A_40 : memref<1x40x128xi32, #tpu.memory_space<hbm>> -> memref<40x128xi32, #tpu.memory_space<hbm>>
      %dma_start3A_42 = arith.constant 0 : i32
      %dma_start3A_43 = arith.constant 0 : i32
      %dma_start3A_44 = tpu.memref_slice %arg3[%add3A, %dma_start3A_42, %dma_start3A_43] : memref<32x40x128xi32, #tpu.memory_space<hbm>> -> memref<1x40x128xi32, #tpu.memory_space<hbm>>
      %dma_start3A_45 = tpu.memref_squeeze %dma_start3A_44 : memref<1x40x128xi32, #tpu.memory_space<hbm>> -> memref<40x128xi32, #tpu.memory_space<hbm>>
      tpu.enqueue_dma source(%dma_start3A_45 : memref<40x128xi32, #tpu.memory_space<hbm>>) target(%arg9 : memref<40x128xi32, #tpu.memory_space<vmem>>) target_semaphore(%run_scoped3A : memref<!tpu.dma_semaphore, #tpu.memory_space<semaphore_mem>>)
      %dma_wait3A = arith.constant 0 : i32
      %dma_wait3A_46 = arith.constant 0 : i32
      %dma_wait3A_47 = tpu.memref_slice %arg3[%add3A, %dma_wait3A, %dma_wait3A_46] : memref<32x40x128xi32, #tpu.memory_space<hbm>> -> memref<1x40x128xi32, #tpu.memory_space<hbm>>
      %dma_wait3A_48 = tpu.memref_squeeze %dma_wait3A_47 : memref<1x40x128xi32, #tpu.memory_space<hbm>> -> memref<40x128xi32, #tpu.memory_space<hbm>>
      %dma_wait3A_49 = arith.constant 0 : i32
      %dma_wait3A_50 = arith.constant 0 : i32
      %dma_wait3A_51 = tpu.memref_slice %arg3[%add3A, %dma_wait3A_49, %dma_wait3A_50] : memref<32x40x128xi32, #tpu.memory_space<hbm>> -> memref<1x40x128xi32, #tpu.memory_space<hbm>>
      %dma_wait3A_52 = tpu.memref_squeeze %dma_wait3A_51 : memref<1x40x128xi32, #tpu.memory_space<hbm>> -> memref<40x128xi32, #tpu.memory_space<hbm>>
      tpu.wait_dma2 semaphore(%run_scoped3A : memref<!tpu.dma_semaphore, #tpu.memory_space<semaphore_mem>>) src(%dma_wait3A_52 : memref<40x128xi32, #tpu.memory_space<hbm>>) dst(%arg9 : memref<40x128xi32, #tpu.memory_space<vmem>>)
      tpu.yield
    }) : () -> ()
    "tpu.region"() ({
      %run_scoped3A = tpu.sem_alloc : memref<!tpu.dma_semaphore, #tpu.memory_space<semaphore_mem>>
      %dma_start3A = arith.constant 0 : i32
      %dma_start3A_39 = tpu.memref_slice %arg2[%mul3A_2, %dma_start3A] : memref<163840x8xf32, #tpu.memory_space<hbm>> -> memref<5120x8xf32, #tpu.memory_space<hbm>>
      %dma_start3A_40 = arith.constant 0 : i32
      %dma_start3A_41 = tpu.memref_slice %arg2[%mul3A_2, %dma_start3A_40] : memref<163840x8xf32, #tpu.memory_space<hbm>> -> memref<5120x8xf32, #tpu.memory_space<hbm>>
      tpu.enqueue_dma source(%dma_start3A_41 : memref<5120x8xf32, #tpu.memory_space<hbm>>) target(%arg10 : memref<5120x8xf32, #tpu.memory_space<vmem>>) target_semaphore(%run_scoped3A : memref<!tpu.dma_semaphore, #tpu.memory_space<semaphore_mem>>)
      %dma_wait3A = arith.constant 0 : i32
      %dma_wait3A_42 = tpu.memref_slice %arg2[%mul3A_2, %dma_wait3A] : memref<163840x8xf32, #tpu.memory_space<hbm>> -> memref<5120x8xf32, #tpu.memory_space<hbm>>
      %dma_wait3A_43 = arith.constant 0 : i32
      %dma_wait3A_44 = tpu.memref_slice %arg2[%mul3A_2, %dma_wait3A_43] : memref<163840x8xf32, #tpu.memory_space<hbm>> -> memref<5120x8xf32, #tpu.memory_space<hbm>>
      tpu.wait_dma2 semaphore(%run_scoped3A : memref<!tpu.dma_semaphore, #tpu.memory_space<semaphore_mem>>) src(%dma_wait3A_44 : memref<5120x8xf32, #tpu.memory_space<hbm>>) dst(%arg10 : memref<5120x8xf32, #tpu.memory_space<vmem>>)
      tpu.yield
    }) : () -> ()
    "tpu.region"() ({
      %run_scoped3A = tpu.sem_alloc : memref<!tpu.dma_semaphore, #tpu.memory_space<semaphore_mem>>
      tpu.enqueue_dma source(%arg4 : memref<2x16xf32, #tpu.memory_space<hbm>>) target(%arg13 : memref<2x16xf32, #tpu.memory_space<vmem>>) target_semaphore(%run_scoped3A : memref<!tpu.dma_semaphore, #tpu.memory_space<semaphore_mem>>)
      tpu.wait_dma2 semaphore(%run_scoped3A : memref<!tpu.dma_semaphore, #tpu.memory_space<semaphore_mem>>) src(%arg4 : memref<2x16xf32, #tpu.memory_space<hbm>>) dst(%arg13 : memref<2x16xf32, #tpu.memory_space<vmem>>)
      tpu.yield
    }) : () -> ()
    %eq3A = arith.constant 0 : i32
    %eq3A_3 = arith.cmpi eq, %arg1, %eq3A : i32
    %convert_element_type3A = arith.extui %eq3A_3 : i1 to i32
    %cond3A = arith.constant 0 : i32
    %cond3A_4 = arith.cmpi ne, %convert_element_type3A, %cond3A : i32
    scf.if %cond3A_4 {
      "tpu.region"() ({
        %run_scoped3A = tpu.sem_alloc : memref<!tpu.dma_semaphore, #tpu.memory_space<semaphore_mem>>
        tpu.enqueue_dma source(%arg5 : memref<1025x8xf32, #tpu.memory_space<hbm>>) target(%arg14 : memref<1025x8xf32, #tpu.memory_space<vmem_shared>>) target_semaphore(%run_scoped3A : memref<!tpu.dma_semaphore, #tpu.memory_space<semaphore_mem>>)
        tpu.wait_dma2 semaphore(%run_scoped3A : memref<!tpu.dma_semaphore, #tpu.memory_space<semaphore_mem>>) src(%arg5 : memref<1025x8xf32, #tpu.memory_space<hbm>>) dst(%arg14 : memref<1025x8xf32, #tpu.memory_space<vmem_shared>>)
        tpu.yield
      }) : () -> ()
    } else {
    }
    %get3A = arith.constant 0 : i32
    %get3A_5 = arith.index_cast %get3A : i32 to index
    %get3A_6 = arith.constant 0 : index
    %get3A_7 = tpu.vector_load %arg13[%get3A_5, %get3A_6] {strides = array<i32>} : memref<2x16xf32, #tpu.memory_space<vmem>>, vector<16xf32>,
    %get3A_8 = arith.constant 1 : i32
    %get3A_9 = arith.index_cast %get3A_8 : i32 to index
    %get3A_10 = arith.constant 0 : index
    %get3A_11 = tpu.vector_load %arg13[%get3A_9, %get3A_10] {strides = array<i32>} : memref<2x16xf32, #tpu.memory_space<vmem>>, vector<16xf32>,
    %iota3A = tpu.iota {dimensions = array<i32: 0>} : vector<16xi32>
    %broadcast_in_dim3A = arith.constant 0 : i32
    %broadcast_in_dim3A_12 = vector.broadcast %broadcast_in_dim3A : i32 to vector<16xi32>
    %scan3A = arith.constant 0 : i32
    %scan3A_13 = arith.constant 0 : i32
    %scan3A_14 = arith.constant 320 : i32
    %scan3A_15 = arith.addi %scan3A_13, %scan3A_14 : i32
    %scan3A_16 = arith.constant 1 : i32
    scf.for %scan3A_39 = %scan3A_13 to %scan3A_15 step %scan3A_16  : i32 {
      %mul3A_40 = arith.constant 16 : i32
      %mul3A_41 = arith.muli %scan3A_39, %mul3A_40 : i32
      %add3A_42 = vector.broadcast %mul3A_41 : i32 to vector<16xi32>
      %add3A_43 = arith.addi %add3A_42, %iota3A : vector<16xi32>
      %gather3A = tpu.vector_load_idx %arg10[%add3A_43, %broadcast_in_dim3A_12] : memref<5120x8xf32, #tpu.memory_space<vmem>>[vector<16xi32>, vector<16xi32>], vector<16xf32>,
      %add3A_44 = arith.addf %gather3A, %get3A_7 : vector<16xf32>
      %add3A_45 = arith.constant 1 : i32
      %add3A_46 = vector.broadcast %add3A_45 : i32 to vector<16xi32>
      %add3A_47 = arith.addi %broadcast_in_dim3A_12, %add3A_46 : vector<16xi32>
      %gather3A_48 = tpu.vector_load_idx %arg10[%add3A_43, %add3A_47] : memref<5120x8xf32, #tpu.memory_space<vmem>>[vector<16xi32>, vector<16xi32>], vector<16xf32>,
      %add3A_49 = arith.addf %gather3A_48, %get3A_11 : vector<16xf32>
      %mul3A_50 = arith.mulf %add3A_44, %add3A_44 : vector<16xf32>
      %mul3A_51 = arith.mulf %add3A_49, %add3A_49 : vector<16xf32>
      %add3A_52 = arith.addf %mul3A_50, %mul3A_51 : vector<16xf32>
      %div3A = arith.divf %mul3A_51, %add3A_52 : vector<16xf32>
      %add3A_53 = arith.addf %add3A_44, %add3A_49 : vector<16xf32>
      %mul3A_54 = arith.constant 16 : i32
      %mul3A_55 = arith.muli %scan3A_39, %mul3A_54 : i32
      %swap3A = arith.index_cast %mul3A_55 : i32 to index
      %swap3A_56 = tpu.vector_load %arg11[%swap3A] {strides = array<i32>} : memref<5120xf32, #tpu.memory_space<vmem>>, vector<16xf32>,
      tpu.vector_store %arg11[%swap3A], %add3A_53 {strides = array<i32>} : memref<5120xf32, #tpu.memory_space<vmem>>, vector<16xf32>,
      %mul3A_57 = arith.constant 16 : i32
      %mul3A_58 = arith.muli %scan3A_39, %mul3A_57 : i32
      %swap3A_59 = arith.index_cast %mul3A_58 : i32 to index
      %swap3A_60 = tpu.vector_load %arg12[%swap3A_59] {strides = array<i32>} : memref<5120xf32, #tpu.memory_space<vmem>>, vector<16xf32>,
      tpu.vector_store %arg12[%swap3A_59], %div3A {strides = array<i32>} : memref<5120xf32, #tpu.memory_space<vmem>>, vector<16xf32>,
      tpu.vector_store_idx %arg10[%add3A_43, %broadcast_in_dim3A_12], %add3A_44 : memref<5120x8xf32, #tpu.memory_space<vmem>>[vector<16xi32>, vector<16xi32>], vector<16xf32>,
      %add3A_61 = arith.constant 1 : i32
      %add3A_62 = vector.broadcast %add3A_61 : i32 to vector<16xi32>
      %add3A_63 = arith.addi %broadcast_in_dim3A_12, %add3A_62 : vector<16xi32>
      tpu.vector_store_idx %arg10[%add3A_43, %add3A_63], %add3A_49 : memref<5120x8xf32, #tpu.memory_space<vmem>>[vector<16xi32>, vector<16xi32>], vector<16xf32>,
      %add3A_64 = arith.constant 2 : i32
      %add3A_65 = vector.broadcast %add3A_64 : i32 to vector<16xi32>
      %add3A_66 = arith.addi %broadcast_in_dim3A_12, %add3A_65 : vector<16xi32>
      tpu.vector_store_idx %arg10[%add3A_43, %add3A_66], %div3A : memref<5120x8xf32, #tpu.memory_space<vmem>>[vector<16xi32>, vector<16xi32>], vector<16xf32>,
      %add3A_67 = arith.constant 3 : i32
      %add3A_68 = vector.broadcast %add3A_67 : i32 to vector<16xi32>
      %add3A_69 = arith.addi %broadcast_in_dim3A_12, %add3A_68 : vector<16xi32>
      tpu.vector_store_idx %arg10[%add3A_43, %add3A_69], %mul3A_51 : memref<5120x8xf32, #tpu.memory_space<vmem>>[vector<16xi32>, vector<16xi32>], vector<16xf32>,
      %add3A_70 = arith.constant 4 : i32
      %add3A_71 = vector.broadcast %add3A_70 : i32 to vector<16xi32>
      %add3A_72 = arith.addi %broadcast_in_dim3A_12, %add3A_71 : vector<16xi32>
      tpu.vector_store_idx %arg10[%add3A_43, %add3A_72], %add3A_52 : memref<5120x8xf32, #tpu.memory_space<vmem>>[vector<16xi32>, vector<16xi32>], vector<16xf32>,
    }
    %scan3A_17 = arith.constant 320 : i32
    %ne3A = arith.constant 31 : i32
    %ne3A_18 = arith.cmpi ne, %add3A, %ne3A : i32
    %convert_element_type3A_19 = arith.extui %ne3A_18 : i1 to i32
    %cond3A_20 = arith.constant 0 : i32
    %cond3A_21 = arith.cmpi ne, %convert_element_type3A_19, %cond3A_20 : i32
    scf.if %cond3A_21 {
      "tpu.region"() ({
        %run_scoped3A = tpu.sem_alloc : memref<!tpu.dma_semaphore, #tpu.memory_space<semaphore_mem>>
        %dma_start3A = tpu.memref_slice %arg7[%mul3A_2] : memref<160000xf32, #tpu.memory_space<hbm>> -> memref<5120xf32, #tpu.memory_space<hbm>>
        %dma_start3A_39 = tpu.memref_slice %arg7[%mul3A_2] : memref<160000xf32, #tpu.memory_space<hbm>> -> memref<5120xf32, #tpu.memory_space<hbm>>
        tpu.enqueue_dma source(%arg11 : memref<5120xf32, #tpu.memory_space<vmem>>) target(%dma_start3A_39 : memref<5120xf32, #tpu.memory_space<hbm>>) target_semaphore(%run_scoped3A : memref<!tpu.dma_semaphore, #tpu.memory_space<semaphore_mem>>)
        %dma_wait3A = tpu.memref_slice %arg7[%mul3A_2] : memref<160000xf32, #tpu.memory_space<hbm>> -> memref<5120xf32, #tpu.memory_space<hbm>>
        %dma_wait3A_40 = tpu.memref_slice %arg7[%mul3A_2] : memref<160000xf32, #tpu.memory_space<hbm>> -> memref<5120xf32, #tpu.memory_space<hbm>>
        tpu.wait_dma2 semaphore(%run_scoped3A : memref<!tpu.dma_semaphore, #tpu.memory_space<semaphore_mem>>) src(%arg11 : memref<5120xf32, #tpu.memory_space<vmem>>) dst(%dma_wait3A_40 : memref<5120xf32, #tpu.memory_space<hbm>>)
        tpu.yield
      }) : () -> ()
      "tpu.region"() ({
        %run_scoped3A = tpu.sem_alloc : memref<!tpu.dma_semaphore, #tpu.memory_space<semaphore_mem>>
        %dma_start3A = tpu.memref_slice %arg8[%mul3A_2] : memref<160000xf32, #tpu.memory_space<hbm>> -> memref<5120xf32, #tpu.memory_space<hbm>>
        %dma_start3A_39 = tpu.memref_slice %arg8[%mul3A_2] : memref<160000xf32, #tpu.memory_space<hbm>> -> memref<5120xf32, #tpu.memory_space<hbm>>
        tpu.enqueue_dma source(%arg12 : memref<5120xf32, #tpu.memory_space<vmem>>) target(%dma_start3A_39 : memref<5120xf32, #tpu.memory_space<hbm>>) target_semaphore(%run_scoped3A : memref<!tpu.dma_semaphore, #tpu.memory_space<semaphore_mem>>)
        %dma_wait3A = tpu.memref_slice %arg8[%mul3A_2] : memref<160000xf32, #tpu.memory_space<hbm>> -> memref<5120xf32, #tpu.memory_space<hbm>>
        %dma_wait3A_40 = tpu.memref_slice %arg8[%mul3A_2] : memref<160000xf32, #tpu.memory_space<hbm>> -> memref<5120xf32, #tpu.memory_space<hbm>>
        tpu.wait_dma2 semaphore(%run_scoped3A : memref<!tpu.dma_semaphore, #tpu.memory_space<semaphore_mem>>) src(%arg12 : memref<5120xf32, #tpu.memory_space<vmem>>) dst(%dma_wait3A_40 : memref<5120xf32, #tpu.memory_space<hbm>>)
        tpu.yield
      }) : () -> ()
    } else {
    }
    %eq3A_22 = arith.constant 31 : i32
    %eq3A_23 = arith.cmpi eq, %add3A, %eq3A_22 : i32
    %convert_element_type3A_24 = arith.extui %eq3A_23 : i1 to i32
    %cond3A_25 = arith.constant 0 : i32
    %cond3A_26 = arith.cmpi ne, %convert_element_type3A_24, %cond3A_25 : i32
    scf.if %cond3A_26 {
      "tpu.region"() ({
        %run_scoped3A = tpu.sem_alloc : memref<!tpu.dma_semaphore, #tpu.memory_space<semaphore_mem>>
        %dma_start3A = arith.constant 0 : i32
        %dma_start3A_39 = tpu.memref_slice %arg11[%dma_start3A] : memref<5120xf32, #tpu.memory_space<vmem>> -> memref<1280xf32, #tpu.memory_space<vmem>>
        %dma_start3A_40 = tpu.memref_slice %arg7[%mul3A_2] : memref<160000xf32, #tpu.memory_space<hbm>> -> memref<1280xf32, #tpu.memory_space<hbm>>
        %dma_start3A_41 = tpu.memref_slice %arg7[%mul3A_2] : memref<160000xf32, #tpu.memory_space<hbm>> -> memref<1280xf32, #tpu.memory_space<hbm>>
        %dma_start3A_42 = arith.constant 0 : i32
        %dma_start3A_43 = tpu.memref_slice %arg11[%dma_start3A_42] : memref<5120xf32, #tpu.memory_space<vmem>> -> memref<1280xf32, #tpu.memory_space<vmem>>
        tpu.enqueue_dma source(%dma_start3A_43 : memref<1280xf32, #tpu.memory_space<vmem>>) target(%dma_start3A_41 : memref<1280xf32, #tpu.memory_space<hbm>>) target_semaphore(%run_scoped3A : memref<!tpu.dma_semaphore, #tpu.memory_space<semaphore_mem>>)
        %dma_wait3A = arith.constant 0 : i32
        %dma_wait3A_44 = tpu.memref_slice %arg11[%dma_wait3A] : memref<5120xf32, #tpu.memory_space<vmem>> -> memref<1280xf32, #tpu.memory_space<vmem>>
        %dma_wait3A_45 = tpu.memref_slice %arg7[%mul3A_2] : memref<160000xf32, #tpu.memory_space<hbm>> -> memref<1280xf32, #tpu.memory_space<hbm>>
        %dma_wait3A_46 = tpu.memref_slice %arg7[%mul3A_2] : memref<160000xf32, #tpu.memory_space<hbm>> -> memref<1280xf32, #tpu.memory_space<hbm>>
        %dma_wait3A_47 = arith.constant 0 : i32
        %dma_wait3A_48 = tpu.memref_slice %arg11[%dma_wait3A_47] : memref<5120xf32, #tpu.memory_space<vmem>> -> memref<1280xf32, #tpu.memory_space<vmem>>
        tpu.wait_dma2 semaphore(%run_scoped3A : memref<!tpu.dma_semaphore, #tpu.memory_space<semaphore_mem>>) src(%dma_wait3A_48 : memref<1280xf32, #tpu.memory_space<vmem>>) dst(%dma_wait3A_46 : memref<1280xf32, #tpu.memory_space<hbm>>)
        tpu.yield
      }) : () -> ()
      "tpu.region"() ({
        %run_scoped3A = tpu.sem_alloc : memref<!tpu.dma_semaphore, #tpu.memory_space<semaphore_mem>>
        %dma_start3A = arith.constant 0 : i32
        %dma_start3A_39 = tpu.memref_slice %arg12[%dma_start3A] : memref<5120xf32, #tpu.memory_space<vmem>> -> memref<1280xf32, #tpu.memory_space<vmem>>
        %dma_start3A_40 = tpu.memref_slice %arg8[%mul3A_2] : memref<160000xf32, #tpu.memory_space<hbm>> -> memref<1280xf32, #tpu.memory_space<hbm>>
        %dma_start3A_41 = tpu.memref_slice %arg8[%mul3A_2] : memref<160000xf32, #tpu.memory_space<hbm>> -> memref<1280xf32, #tpu.memory_space<hbm>>
        %dma_start3A_42 = arith.constant 0 : i32
        %dma_start3A_43 = tpu.memref_slice %arg12[%dma_start3A_42] : memref<5120xf32, #tpu.memory_space<vmem>> -> memref<1280xf32, #tpu.memory_space<vmem>>
        tpu.enqueue_dma source(%dma_start3A_43 : memref<1280xf32, #tpu.memory_space<vmem>>) target(%dma_start3A_41 : memref<1280xf32, #tpu.memory_space<hbm>>) target_semaphore(%run_scoped3A : memref<!tpu.dma_semaphore, #tpu.memory_space<semaphore_mem>>)
        %dma_wait3A = arith.constant 0 : i32
        %dma_wait3A_44 = tpu.memref_slice %arg12[%dma_wait3A] : memref<5120xf32, #tpu.memory_space<vmem>> -> memref<1280xf32, #tpu.memory_space<vmem>>
        %dma_wait3A_45 = tpu.memref_slice %arg8[%mul3A_2] : memref<160000xf32, #tpu.memory_space<hbm>> -> memref<1280xf32, #tpu.memory_space<hbm>>
        %dma_wait3A_46 = tpu.memref_slice %arg8[%mul3A_2] : memref<160000xf32, #tpu.memory_space<hbm>> -> memref<1280xf32, #tpu.memory_space<hbm>>
        %dma_wait3A_47 = arith.constant 0 : i32
        %dma_wait3A_48 = tpu.memref_slice %arg12[%dma_wait3A_47] : memref<5120xf32, #tpu.memory_space<vmem>> -> memref<1280xf32, #tpu.memory_space<vmem>>
        tpu.wait_dma2 semaphore(%run_scoped3A : memref<!tpu.dma_semaphore, #tpu.memory_space<semaphore_mem>>) src(%dma_wait3A_48 : memref<1280xf32, #tpu.memory_space<vmem>>) dst(%dma_wait3A_46 : memref<1280xf32, #tpu.memory_space<hbm>>)
        tpu.yield
      }) : () -> ()
    } else {
    }
    %barrier3A = arith.constant 0 : index
    tpu.barrier barrier_id(%barrier3A)
    %scan3A_27 = arith.constant 0 : i32
    %scan3A_28 = arith.constant 0 : i32
    %scan3A_29 = arith.constant 40 : i32
    %scan3A_30 = arith.addi %scan3A_28, %scan3A_29 : i32
    %scan3A_31 = arith.constant 1 : i32
    scf.for %scan3A_39 = %scan3A_28 to %scan3A_30 step %scan3A_31  : i32 {
      %mul3A_40 = arith.constant 128 : i32
      %mul3A_41 = arith.muli %scan3A_39, %mul3A_40 : i32
      "tpu.region"() ({
        %run_scoped3A = tpu.sem_alloc : memref<!tpu.dma_semaphore, #tpu.memory_space<semaphore_mem>>
        %dma_start3A = arith.constant 0 : i32
        %dma_start3A_42 = tpu.memref_slice %arg10[%mul3A_41, %dma_start3A] : memref<5120x8xf32, #tpu.memory_space<vmem>> -> memref<128x8xf32, #tpu.memory_space<vmem>>
        %dma_start3A_43 = arith.constant 0 : i32
        %dma_start3A_44 = tpu.memref_slice %arg9[%scan3A_39, %dma_start3A_43] : memref<40x128xi32, #tpu.memory_space<vmem>> -> memref<1x128xi32, #tpu.memory_space<vmem>>
        %dma_start3A_45 = tpu.memref_squeeze %dma_start3A_44 : memref<1x128xi32, #tpu.memory_space<vmem>> -> memref<128xi32, #tpu.memory_space<vmem>>
        %dma_start3A_46 = arith.constant 0 : i32
        %dma_start3A_47 = arith.constant 0 : i32
        %dma_start3A_48 = tpu.memref_slice %arg14[%dma_start3A_46, %dma_start3A_47] : memref<1025x8xf32, #tpu.memory_space<vmem_shared>> -> memref<1025x8xf32, #tpu.memory_space<vmem_shared>>
        tpu.enqueue_indirect_dma source(%dma_start3A_42 : memref<128x8xf32, #tpu.memory_space<vmem>>) target(%dma_start3A_48 : memref<1025x8xf32, #tpu.memory_space<vmem_shared>>) offsets(%dma_start3A_45 : memref<128xi32, #tpu.memory_space<vmem>>) semaphore(%run_scoped3A : memref<!tpu.dma_semaphore, #tpu.memory_space<semaphore_mem>>) {add = true}
        %dma_wait3A = arith.constant 0 : i32
        %dma_wait3A_49 = tpu.memref_slice %arg10[%mul3A_41, %dma_wait3A] : memref<5120x8xf32, #tpu.memory_space<vmem>> -> memref<128x8xf32, #tpu.memory_space<vmem>>
        %dma_wait3A_50 = arith.constant 0 : i32
        %dma_wait3A_51 = tpu.memref_slice %arg9[%scan3A_39, %dma_wait3A_50] : memref<40x128xi32, #tpu.memory_space<vmem>> -> memref<1x128xi32, #tpu.memory_space<vmem>>
        %dma_wait3A_52 = tpu.memref_squeeze %dma_wait3A_51 : memref<1x128xi32, #tpu.memory_space<vmem>> -> memref<128xi32, #tpu.memory_space<vmem>>
        %dma_wait3A_53 = arith.constant 0 : i32
        %dma_wait3A_54 = arith.constant 0 : i32
        %dma_wait3A_55 = tpu.memref_slice %arg14[%dma_wait3A_53, %dma_wait3A_54] : memref<1025x8xf32, #tpu.memory_space<vmem_shared>> -> memref<1025x8xf32, #tpu.memory_space<vmem_shared>>
        tpu.wait_indirect_dma semaphore(%run_scoped3A : memref<!tpu.dma_semaphore, #tpu.memory_space<semaphore_mem>>) src(%dma_wait3A_49 : memref<128x8xf32, #tpu.memory_space<vmem>>) dst(%dma_wait3A_55 : memref<1025x8xf32, #tpu.memory_space<vmem_shared>>)
        tpu.yield
      }) : () -> ()
    }
    %scan3A_32 = arith.constant 40 : i32
    %barrier3A_33 = arith.constant 0 : index
    tpu.barrier barrier_id(%barrier3A_33)
    %eq3A_34 = arith.constant 0 : i32
    %eq3A_35 = arith.cmpi eq, %arg1, %eq3A_34 : i32
    %convert_element_type3A_36 = arith.extui %eq3A_35 : i1 to i32
    %cond3A_37 = arith.constant 0 : i32
    %cond3A_38 = arith.cmpi ne, %convert_element_type3A_36, %cond3A_37 : i32
    scf.if %cond3A_38 {
      "tpu.region"() ({
        %run_scoped3A = tpu.sem_alloc : memref<!tpu.dma_semaphore, #tpu.memory_space<semaphore_mem>>
        %dma_start3A = arith.constant 0 : i32
        %dma_start3A_39 = arith.constant 0 : i32
        %dma_start3A_40 = tpu.memref_slice %arg6[%arg0, %dma_start3A, %dma_start3A_39] : memref<2x1024x8xf32, #tpu.memory_space<hbm>> -> memref<1x1024x8xf32, #tpu.memory_space<hbm>>
        %dma_start3A_41 = tpu.memref_squeeze %dma_start3A_40 : memref<1x1024x8xf32, #tpu.memory_space<hbm>> -> memref<1024x8xf32, #tpu.memory_space<hbm>>
        %dma_start3A_42 = arith.constant 0 : i32
        %dma_start3A_43 = arith.constant 0 : i32
        %dma_start3A_44 = tpu.memref_slice %arg14[%dma_start3A_42, %dma_start3A_43] : memref<1025x8xf32, #tpu.memory_space<vmem_shared>> -> memref<1024x8xf32, #tpu.memory_space<vmem_shared>>
        tpu.enqueue_dma source(%dma_start3A_44 : memref<1024x8xf32, #tpu.memory_space<vmem_shared>>) target(%dma_start3A_41 : memref<1024x8xf32, #tpu.memory_space<hbm>>) target_semaphore(%run_scoped3A : memref<!tpu.dma_semaphore, #tpu.memory_space<semaphore_mem>>)
        %dma_wait3A = arith.constant 0 : i32
        %dma_wait3A_45 = arith.constant 0 : i32
        %dma_wait3A_46 = tpu.memref_slice %arg6[%arg0, %dma_wait3A, %dma_wait3A_45] : memref<2x1024x8xf32, #tpu.memory_space<hbm>> -> memref<1x1024x8xf32, #tpu.memory_space<hbm>>
        %dma_wait3A_47 = tpu.memref_squeeze %dma_wait3A_46 : memref<1x1024x8xf32, #tpu.memory_space<hbm>> -> memref<1024x8xf32, #tpu.memory_space<hbm>>
        %dma_wait3A_48 = arith.constant 0 : i32
        %dma_wait3A_49 = arith.constant 0 : i32
        %dma_wait3A_50 = tpu.memref_slice %arg14[%dma_wait3A_48, %dma_wait3A_49] : memref<1025x8xf32, #tpu.memory_space<vmem_shared>> -> memref<1024x8xf32, #tpu.memory_space<vmem_shared>>
        tpu.wait_dma2 semaphore(%run_scoped3A : memref<!tpu.dma_semaphore, #tpu.memory_space<semaphore_mem>>) src(%dma_wait3A_50 : memref<1024x8xf32, #tpu.memory_space<vmem_shared>>) dst(%dma_wait3A_47 : memref<1024x8xf32, #tpu.memory_space<hbm>>)
        tpu.yield
      }) : () -> ()
    } else {
    }
    return
  }
}

module attributes {stable_mosaic.version = 14 : i64} {
  func.func @_tc_body(%arg0: i32, %arg1: memref<1x8000x128xf32, #tpu.memory_space<vmem>>, %arg2: memref<1x8000x128xf32, #tpu.memory_space<vmem>>, %arg3: memref<128x8xbf16, #tpu.memory_space<vmem>>, %arg4: memref<128x8xbf16, #tpu.memory_space<vmem>>, %arg5: memref<8000x8xf32, #tpu.memory_space<vmem>>) attributes {dimension_semantics = [#tpu.dimension_semantics<arbitrary>], iteration_bounds = array<i64: 20>, scalar_prefetch = 0 : i64, scratch_operands = 0 : i64, tpu.core_type = #tpu.core_type<tc>, window_params = [{transform_indices = @transform_0, window_bounds = array<i64: 1, 8000, 128>}, {transform_indices = @transform_1, window_bounds = array<i64: 1, 8000, 128>}, {pipeline_mode = #tpu.pipeline_mode<synchronous>, transform_indices = @transform_2, window_bounds = array<i64: 128, 8>}, {pipeline_mode = #tpu.pipeline_mode<synchronous>, transform_indices = @transform_3, window_bounds = array<i64: 128, 8>}, {transform_indices = @transform_4, window_bounds = array<i64: 8000, 8>}]} {
    %get3A = arith.constant 0 : index
    %get3A_0 = arith.constant 0 : index
    %get3A_1 = arith.constant 0 : index
    %get3A_2 = vector.load %arg1[%get3A, %get3A_0, %get3A_1] : memref<1x8000x128xf32, #tpu.memory_space<vmem>>, vector<1x8000x128xf32>
    %get3A_3 = vector.shape_cast %get3A_2 : vector<1x8000x128xf32> to vector<8000x128xf32>
    %convert_element_type3A = arith.truncf %get3A_3 : vector<8000x128xf32> to vector<8000x128xbf16>
    %get3A_4 = arith.constant 0 : index
    %get3A_5 = arith.constant 0 : index
    %get3A_6 = vector.load %arg3[%get3A_4, %get3A_5] : memref<128x8xbf16, #tpu.memory_space<vmem>>, vector<128x8xbf16>
    %dot_general3A = arith.constant dense<0.000000e+00> : vector<8000x8xf32>
    %dot_general3A_7 = tpu.matmul %convert_element_type3A, %get3A_6, %dot_general3A {dimension_numbers = #tpu.dot_dimension_numbers<[1], [0], [0], [1], [0, 0, 1, 1], [], []>, transpose_lhs_hint = false} : vector<8000x128xbf16>, vector<128x8xbf16>, vector<8000x8xf32> -> vector<8000x8xf32>
    %get3A_8 = arith.constant 0 : index
    %get3A_9 = arith.constant 0 : index
    %get3A_10 = arith.constant 0 : index
    %get3A_11 = vector.load %arg2[%get3A_8, %get3A_9, %get3A_10] : memref<1x8000x128xf32, #tpu.memory_space<vmem>>, vector<1x8000x128xf32>
    %get3A_12 = vector.shape_cast %get3A_11 : vector<1x8000x128xf32> to vector<8000x128xf32>
    %convert_element_type3A_13 = arith.truncf %get3A_12 : vector<8000x128xf32> to vector<8000x128xbf16>
    %get3A_14 = arith.constant 0 : index
    %get3A_15 = arith.constant 0 : index
    %get3A_16 = vector.load %arg4[%get3A_14, %get3A_15] : memref<128x8xbf16, #tpu.memory_space<vmem>>, vector<128x8xbf16>
    %dot_general3A_17 = arith.constant dense<0.000000e+00> : vector<8000x8xf32>
    %dot_general3A_18 = tpu.matmul %convert_element_type3A_13, %get3A_16, %dot_general3A_17 {dimension_numbers = #tpu.dot_dimension_numbers<[1], [0], [0], [1], [0, 0, 1, 1], [], []>, transpose_lhs_hint = false} : vector<8000x128xbf16>, vector<128x8xbf16>, vector<8000x8xf32> -> vector<8000x8xf32>
    %add3A = arith.addf %dot_general3A_7, %dot_general3A_18 : vector<8000x8xf32>
    %swap3A = arith.constant 0 : index
    %swap3A_19 = arith.constant 0 : index
    %swap3A_20 = vector.load %arg5[%swap3A, %swap3A_19] : memref<8000x8xf32, #tpu.memory_space<vmem>>, vector<8000x8xf32>
    tpu.vector_store %arg5[%swap3A, %swap3A_19], %add3A {strides = array<i32>} : memref<8000x8xf32, #tpu.memory_space<vmem>>, vector<8000x8xf32>,
    return
  }
  func.func @transform_0(%arg0: i32) -> (i32, i32, i32) {
    %c0_i32 = arith.constant 0 : i32
    %c0_i32_0 = arith.constant 0 : i32
    %c0_i32_1 = arith.constant 0 : i32
    return %c0_i32, %arg0, %c0_i32_0 : i32, i32, i32
  }
  func.func @transform_1(%arg0: i32) -> (i32, i32, i32) {
    %c1_i32 = arith.constant 1 : i32
    %c0_i32 = arith.constant 0 : i32
    %c0_i32_0 = arith.constant 0 : i32
    return %c1_i32, %arg0, %c0_i32 : i32, i32, i32
  }
  func.func @transform_2(%arg0: i32) -> (i32, i32) {
    %c0_i32 = arith.constant 0 : i32
    %c0_i32_0 = arith.constant 0 : i32
    %c0_i32_1 = arith.constant 0 : i32
    return %c0_i32, %c0_i32_0 : i32, i32
  }
  func.func @transform_3(%arg0: i32) -> (i32, i32) {
    %c0_i32 = arith.constant 0 : i32
    %c0_i32_0 = arith.constant 0 : i32
    %c0_i32_1 = arith.constant 0 : i32
    return %c0_i32, %c0_i32_0 : i32, i32
  }
  func.func @transform_4(%arg0: i32) -> (i32, i32) {
    %c0_i32 = arith.constant 0 : i32
    %c0_i32_0 = arith.constant 0 : i32
    return %arg0, %c0_i32 : i32, i32
  }
}

module attributes {stable_mosaic.version = 14 : i64} {
  func.func @_fin_body(%arg0: memref<2x1024x8xf32, #tpu.memory_space<vmem>>, %arg1: memref<1024x1xf32, #tpu.memory_space<vmem>>, %arg2: memref<1024x1xf32, #tpu.memory_space<vmem>>, %arg3: memref<1024x1xf32, #tpu.memory_space<vmem>>, %arg4: memref<1024x1xf32, #tpu.memory_space<vmem>>, %arg5: memref<1024x1xf32, #tpu.memory_space<vmem>>, %arg6: memref<1x1xf32, #tpu.memory_space<vmem>>) attributes {dimension_semantics = [], scalar_prefetch = 0 : i64, scratch_operands = 0 : i64, tpu.core_type = #tpu.core_type<tc>} {
    %get3A = arith.constant 0 : index
    %get3A_0 = arith.constant 0 : index
    %get3A_1 = arith.constant 0 : index
    %get3A_2 = vector.load %arg0[%get3A, %get3A_0, %get3A_1] : memref<2x1024x8xf32, #tpu.memory_space<vmem>>, vector<1x1024x8xf32>
    %get3A_3 = vector.shape_cast %get3A_2 : vector<1x1024x8xf32> to vector<1024x8xf32>
    %get3A_4 = arith.constant 1 : index
    %get3A_5 = arith.constant 0 : index
    %get3A_6 = arith.constant 0 : index
    %get3A_7 = vector.load %arg0[%get3A_4, %get3A_5, %get3A_6] : memref<2x1024x8xf32, #tpu.memory_space<vmem>>, vector<1x1024x8xf32>
    %get3A_8 = vector.shape_cast %get3A_7 : vector<1x1024x8xf32> to vector<1024x8xf32>
    %add3A = arith.addf %get3A_3, %get3A_8 : vector<1024x8xf32>
    %slice3A = vector.extract_strided_slice %add3A {offsets = [0, 0], sizes = [1024, 1], strides = [1, 1]} : vector<1024x8xf32> to vector<1024x1xf32>
    %slice3A_9 = vector.extract_strided_slice %add3A {offsets = [0, 1], sizes = [1024, 1], strides = [1, 1]} : vector<1024x8xf32> to vector<1024x1xf32>
    %add3A_10 = arith.addf %slice3A, %slice3A_9 : vector<1024x1xf32>
    %swap3A = arith.constant 0 : index
    %swap3A_11 = arith.constant 0 : index
    %swap3A_12 = vector.load %arg1[%swap3A, %swap3A_11] : memref<1024x1xf32, #tpu.memory_space<vmem>>, vector<1024x1xf32>
    tpu.vector_store %arg1[%swap3A, %swap3A_11], %add3A_10 {strides = array<i32>} : memref<1024x1xf32, #tpu.memory_space<vmem>>, vector<1024x1xf32>,
    %swap3A_13 = arith.constant 0 : index
    %swap3A_14 = arith.constant 0 : index
    %swap3A_15 = vector.load %arg2[%swap3A_13, %swap3A_14] : memref<1024x1xf32, #tpu.memory_space<vmem>>, vector<1024x1xf32>
    tpu.vector_store %arg2[%swap3A_13, %swap3A_14], %slice3A {strides = array<i32>} : memref<1024x1xf32, #tpu.memory_space<vmem>>, vector<1024x1xf32>,
    %add3A_16 = arith.addf %slice3A, %slice3A_9 : vector<1024x1xf32>
    %swap3A_17 = arith.constant 0 : index
    %swap3A_18 = arith.constant 0 : index
    %swap3A_19 = vector.load %arg3[%swap3A_17, %swap3A_18] : memref<1024x1xf32, #tpu.memory_space<vmem>>, vector<1024x1xf32>
    tpu.vector_store %arg3[%swap3A_17, %swap3A_18], %add3A_16 {strides = array<i32>} : memref<1024x1xf32, #tpu.memory_space<vmem>>, vector<1024x1xf32>,
    %slice3A_20 = vector.extract_strided_slice %add3A {offsets = [0, 2], sizes = [1024, 1], strides = [1, 1]} : vector<1024x8xf32> to vector<1024x1xf32>
    %swap3A_21 = arith.constant 0 : index
    %swap3A_22 = arith.constant 0 : index
    %swap3A_23 = vector.load %arg4[%swap3A_21, %swap3A_22] : memref<1024x1xf32, #tpu.memory_space<vmem>>, vector<1024x1xf32>
    tpu.vector_store %arg4[%swap3A_21, %swap3A_22], %slice3A_20 {strides = array<i32>} : memref<1024x1xf32, #tpu.memory_space<vmem>>, vector<1024x1xf32>,
    %slice3A_24 = vector.extract_strided_slice %add3A {offsets = [0, 3], sizes = [1024, 1], strides = [1, 1]} : vector<1024x8xf32> to vector<1024x1xf32>
    %slice3A_25 = vector.extract_strided_slice %add3A {offsets = [0, 4], sizes = [1024, 1], strides = [1, 1]} : vector<1024x8xf32> to vector<1024x1xf32>
    %div3A = arith.divf %slice3A_24, %slice3A_25 : vector<1024x1xf32>
    %swap3A_26 = arith.constant 0 : index
    %swap3A_27 = arith.constant 0 : index
    %swap3A_28 = vector.load %arg5[%swap3A_26, %swap3A_27] : memref<1024x1xf32, #tpu.memory_space<vmem>>, vector<1024x1xf32>
    tpu.vector_store %arg5[%swap3A_26, %swap3A_27], %div3A {strides = array<i32>} : memref<1024x1xf32, #tpu.memory_space<vmem>>, vector<1024x1xf32>,
    %slice3A_29 = vector.extract_strided_slice %add3A {offsets = [0, 3], sizes = [1024, 1], strides = [1, 1]} : vector<1024x8xf32> to vector<1024x1xf32>
    %reduce_sum3A = vector.shape_cast %slice3A_29 : vector<1024x1xf32> to vector<1x1024x1xf32>
    %reduce_sum3A_30 = arith.constant dense<0.000000e+00> : vector<1xf32>
    %reduce_sum3A_31 = vector.multi_reduction <add>, %reduce_sum3A, %reduce_sum3A_30 [1, 2] : vector<1x1024x1xf32> to vector<1xf32>
    %reduce_sum3A_32 = vector.shape_cast %reduce_sum3A_31 : vector<1xf32> to vector<1x1x1xf32>
    %reduce_sum3A_33 = vector.extract %reduce_sum3A_32[0, 0, 0] : f32 from vector<1x1x1xf32>
    %broadcast_in_dim3A = vector.broadcast %reduce_sum3A_33 : f32 to vector<1x1xf32>
    %slice3A_34 = vector.extract_strided_slice %add3A {offsets = [0, 4], sizes = [1024, 1], strides = [1, 1]} : vector<1024x8xf32> to vector<1024x1xf32>
    %reduce_sum3A_35 = vector.shape_cast %slice3A_34 : vector<1024x1xf32> to vector<1x1024x1xf32>
    %reduce_sum3A_36 = arith.constant dense<0.000000e+00> : vector<1xf32>
    %reduce_sum3A_37 = vector.multi_reduction <add>, %reduce_sum3A_35, %reduce_sum3A_36 [1, 2] : vector<1x1024x1xf32> to vector<1xf32>
    %reduce_sum3A_38 = vector.shape_cast %reduce_sum3A_37 : vector<1xf32> to vector<1x1x1xf32>
    %reduce_sum3A_39 = vector.extract %reduce_sum3A_38[0, 0, 0] : f32 from vector<1x1x1xf32>
    %broadcast_in_dim3A_40 = vector.broadcast %reduce_sum3A_39 : f32 to vector<1x1xf32>
    %div3A_41 = arith.divf %broadcast_in_dim3A, %broadcast_in_dim3A_40 : vector<1x1xf32>
    %swap3A_42 = arith.constant 0 : index
    %swap3A_43 = arith.constant 0 : index
    %swap3A_44 = vector.load %arg6[%swap3A_42, %swap3A_43] : memref<1x1xf32, #tpu.memory_space<vmem>>, vector<1x1xf32>
    tpu.vector_store %arg6[%swap3A_42, %swap3A_43], %div3A_41 {strides = array<i32>} : memref<1x1xf32, #tpu.memory_space<vmem>>, vector<1x1xf32>,
    return
  }
}

</mosaic_0001>

<sc_bundles>
// kernel: kernel.5.cloned.1.call-start
scs
__scs_entry_jumppad:
0x0: {  	(pc) =	sbr.rel $0x88, $3  }
0x1: {  	(tag) =	ssettag $0x0;
	lr =	simm.s32 $0x1  }
0x2: {  	[smem:$0x3F9B] =	sst lr;
	_ =	strace $0xD0000000  }
0x3: {  	_ = 	snop  }
0x4: {  	_ = 	snop  }
0x5: {  	_ = 	snop  }
0x6: {  	_ = 	snop  }
0x7: {  	_ = 	snop  }
__scs_overlays_trampoline_lowered:
0x8: {  	[smem:$0x3FAA] =	sst s0  }
0x9: {  	[smem:$0x3FAB] =	sst s1  }
0xa: {  	[smem:$0x3FAC] =	sst s2  }
0xb: {  	[smem:$0x3FAD] =	sst s3  }
0xc: {  	[smem:$0x3FAE] =	sst s4  }
0xd: {  	[smem:$0x3FAF] =	sst s5  }
0xe: {  	[smem:$0x3FB0] =	sst s6  }
0xf: {  	[smem:$0x3FB1] =	sst s7  }
0x10: {  	[smem:$0x3FB2] =	sst s8  }
0x11: {  	[smem:$0x3FB3] =	sst s9;
	s0 =	simm.s32 @!p0 $0x0  }
0x12: {  	s1 =	sld [smem:$0x3F99];
	s0 =	simm.s32 @p0 $0x1  }
0x13: {  	[smem:$0x3FB4] =	sst s0;
	s0 =	simm.s32 @!p1 $0x0  }
0x14: {  	s2 =	sld [smem:$0x3F98];
	s0 =	simm.s32 @p1 $0x1  }
0x15: {  	[smem:$0x3FB5] =	sst s0;
	s0 =	simm.s32 @!p2 $0x0  }
0x16: {  	s3 =	sld [smem:$0x3FDB];
	s0 =	simm.s32 @p2 $0x1  }
0x17: {  	s4 =	simm.s32 $0x1BF5;
	[smem:$0x3FB7] =	sst s0  }
0x18: {  	s0 =	sld [smem:$0x3F9A];
	_ =	swait.ge [sflag:s4], $0x0  }
0x19: {  	s7 =	sld [smem:$0x3F9B]  }
0x1a: {  	s8 =	sadd.s32 $0xFFFFE003, lr  }
0x1b: {  	s9 =	sadd.s32 $0xFFFFFEF7, lr;
	s5 =	simm.s32 $0xFFFFFFFF;
	p2 =	slt.u32 s8, $0xFFFFF086  }
0x1c: {  	p1 =	slt.u32 s9, $0xF7A;
	s5 =	simm.s32 @!p2 $0x0  }
0x1d: {  	s5 =	simm.s32 @p1 $0x1;
	p0 =	seq.s32 s7, s2  }
0x1e: {  	s7 =	smul.u32 @!p0 $0xF7A, s2;
	p2 =	seq.s32 @!p0 s5, $0x0  }
0x1f: {  	s9 =	smul.u32 $0xF7A, s1;
	s8 =	simm.s32 @!p0 $0x1BF5;
	p2 =	por !p2, p0  }
0x20: {  	[sflag:s8] =	ssyncset.s32 @!p0 $0xFFFFF086;
	s6 =	sadd.s32 @!p0 s3, s7;
	s7 =	simm.s32 @!p0 $0x108  }
0x21: {  	s3 =	sadd.s32 s3, s9;
	s6 =	sadd.s32 @!p0 $0x88, s6;
	s7 =	simm.s32 @p2 $0x1082  }
0x22: {  	[simem:s7], [sflag:s8] =	dma.local @!p0 [hbm:s6], $0xF7A  }
0x23: {  	s9 =	sor.u32 $0xD0000000, s2;
	s6 =	simm.s32 $0x108;
	_ =	swait.ge @!p0 [sflag:s8], $0x0  }
0x24: {  	s3 =	sadd.s32 $0x88, s3;
	s6 =	simm.s32 @!p1 $0x1082;
	[sflag:s4] =	ssyncset.s32 $0xFFFFF086  }
0x25: {  	[simem:s6], [sflag:s4] =	dma.local [hbm:s3], $0xF7A  }
0x26: {  	[smem:$0x3F9B] =	sst s1;
	(tag) =	ssettag s2;
	_ =	strace s9  }
0x27: {  	s1 =	sld [smem:$0x3FAB]  }
0x28: {  	s2 =	sld [smem:$0x3FAC]  }
0x29: {  	s4 =	sld [smem:$0x3FAE]  }
0x2a: {  	p0 =	seq.s32 s5, $0x0;
	s5 =	sld [smem:$0x3FAF]  }
0x2b: {  	s6 =	sld [smem:$0x3FB0]  }
0x2c: {  	s7 =	sld [smem:$0x3FB1]  }
0x2d: {  	s3 =	simm.s32 $0x108;
	s8 =	sld [smem:$0x3FB2]  }
0x2e: {  	s3 =	simm.s32 @!p0 $0x1082;
	s9 =	sld [smem:$0x3FB3]  }
0x2f: {  	lr =	sadd.s32 s0, s3;
	s0 =	sld [smem:$0x3FAA]  }
0x30: {  	s3 =	sld [smem:$0x3FAD]  }
0x31: {  	[smem:$0x3FB6] =	sst s10  }
0x32: {  	s10 =	sld [smem:$0x3FB4];
	_ =	sdelay $0x3  }
0x33: {  	p0 =	seq.s32 s10, $0x1;
	s10 =	sld [smem:$0x3FB6];
	_ =	sdelay $0x3  }
0x34: {  	[smem:$0x3FB6] =	sst s10  }
0x35: {  	s10 =	sld [smem:$0x3FB5];
	_ =	sdelay $0x3  }
0x36: {  	p1 =	seq.s32 s10, $0x1;
	s10 =	sld [smem:$0x3FB6];
	_ =	sdelay $0x3  }
0x37: {  	[smem:$0x3FB6] =	sst s10  }
0x38: {  	s10 =	sld [smem:$0x3FB7]  }
0x39: {  	_ = 	snop;
	(pc) =	sbr.ind lr, $3  }
0x3a: {  	_ = 	snop  }
0x3b: {  	_ = 	snop  }
0x3c: {  	p2 =	seq.s32 s10, $0x1;
	s10 =	sld [smem:$0x3FB6]  }
0x3d: {  	_ =	shalt  }
0x3e: {  	_ =	shalt  }
0x3f: {  	_ =	shalt  }
0x40: {  	_ =	shalt  }
0x41: {  	_ =	shalt  }
0x42: {  	_ =	shalt  }
0x43: {  	_ =	shalt  }
0x44: {  	_ =	shalt  }
0x45: {  	_ =	shalt  }
0x46: {  	_ =	shalt  }
0x47: {  	_ =	shalt  }
0x48: {  	_ =	shalt  }
0x49: {  	_ =	shalt  }
0x4a: {  	_ =	shalt  }
0x4b: {  	_ =	shalt  }
0x4c: {  	_ =	shalt  }
0x4d: {  	_ =	shalt  }
0x4e: {  	_ =	shalt  }
0x4f: {  	_ =	shalt  }
0x50: {  	_ =	shalt  }
0x51: {  	_ =	shalt  }
0x52: {  	_ =	shalt  }
0x53: {  	_ =	shalt  }
0x54: {  	_ =	shalt  }
0x55: {  	_ =	shalt  }
0x56: {  	_ =	shalt  }
0x57: {  	_ =	shalt  }
0x58: {  	_ =	shalt  }
0x59: {  	_ =	shalt  }
0x5a: {  	_ =	shalt  }
0x5b: {  	_ =	shalt  }
0x5c: {  	_ =	shalt  }
0x5d: {  	_ =	shalt  }
0x5e: {  	_ =	shalt  }
0x5f: {  	_ =	shalt  }
0x60: {  	_ =	shalt  }
0x61: {  	_ =	shalt  }
0x62: {  	_ =	shalt  }
0x63: {  	_ =	shalt  }
0x64: {  	_ =	shalt  }
0x65: {  	_ =	shalt  }
0x66: {  	_ =	shalt  }
0x67: {  	_ =	shalt  }
0x68: {  	_ =	shalt  }
0x69: {  	_ =	shalt  }
0x6a: {  	_ =	shalt  }
0x6b: {  	_ =	shalt  }
0x6c: {  	_ =	shalt  }
0x6d: {  	_ =	shalt  }
0x6e: {  	_ =	shalt  }
0x6f: {  	_ =	shalt  }
0x70: {  	_ =	shalt  }
0x71: {  	_ =	shalt  }
0x72: {  	_ =	shalt  }
0x73: {  	_ =	shalt  }
0x74: {  	_ =	shalt  }
0x75: {  	_ =	shalt  }
0x76: {  	_ =	shalt  }
0x77: {  	_ =	shalt  }
0x78: {  	_ =	shalt  }
0x79: {  	_ =	shalt  }
0x7a: {  	_ =	shalt  }
0x7b: {  	_ =	shalt  }
0x7c: {  	_ =	shalt  }
0x7d: {  	_ =	shalt  }
0x7e: {  	_ =	shalt  }
0x7f: {  	_ =	shalt  }
0x80: {  	_ =	shalt  }
0x81: {  	_ =	shalt  }
0x82: {  	_ =	shalt  }
0x83: {  	_ =	shalt  }
0x84: {  	_ =	shalt  }
0x85: {  	_ =	shalt  }
0x86: {  	_ =	shalt  }
0x87: {  	_ =	shalt  }
.Lfunc_end0:
.L_simem_size_0:
called_computation_lowered:
.L_overlay_start_0:
0x88: {  	s2 =	sld [smem:$0x3FD9]  }
0x89: {  	s3 =	sld [smem:$0x3FFE];
	_ =	sdelay $0x1  }
0x8a: {  	s1 =	srdreg.scid  }
0x8b: {  	s0 =	sand.u32 $0x1, s1  }
0x8c: {  	s14 =	sshll.u32 s0, $0xA;
	s2 =	sadd.s32 s3, s2  }
0x8d: {  	s2 =	sadd.s32 s2, s14  }
0x8e: {  	[smem:$0x3FC2] =	sst s2  }
0x8f: {  	_ = 	snop  }
0x90: {  	s2 =	sld [smem:$0x3FD0];
	_ =	sdelay $0x2  }
0x91: {  	s15 =	simm.s32 $0xA;
	s4 =	simm.s32 $0x10  }
0x92: {  	[smem:s4], [sflag:s15] =	dma.local [hbm:s2], $0x1  }
0x93: {  	_ =	swait.eq [sflag:s15], $0x1  }
0x94: {  	s16 =	sld [smem:$0x11];
	[sflag:s15] =	ssyncset.done $0x0  }
0x95: {  	s17 =	sld [smem:$0x15];
	[sflag:s15] =	ssyncadd.s32 $0xFFFFFFFF  }
0x96: {  	s18 =	sld [smem:$0x17];
	(tm) =	ssettm $0x1  }
0x97: {  	s5 =	sld [smem:$0x3FFB];
	_ =	sdelay $0x3  }
0x98: {  	_ =	strace s5  }
0x99: {  	s5 =	sld [smem:$0x3FFC];
	_ =	sdelay $0x3  }
0x9a: {  	_ =	strace s5  }
0x9b: {  	s5 =	sld [smem:$0x3FFD];
	_ =	sdelay $0x3  }
0x9c: {  	_ =	strace s5  }
0x9d: {  	_ =	strace $0x8FFFFFFF  }
0x9e: {  	s19 =	sld [smem:$0x3FDB];
	_ =	sdelay $0x1  }
0x9f: {  	s6 =	simm.s32 $_scs_section_size  }
0xa0: {  	s7 =	simm.s32 $_size__tile_overlayer_lowered;
	s8 =	simm.s32 $_tile_overlayer_lowered  }
0xa1: {  	s22 =	simm.s32 $0x1BFF;
	s21 =	sshll.u32 s8, $0x1;
	s5 =	sadd.s32 s6, s19  }
0xa2: {  	s9 =	simm.s32 $0x0;
	s20 =	sshll.u32 s7, $0x1;
	s7 =	sadd.s32 s21, s5  }
0xa3: {  	[timem:s9], [sflag:s22] =	dma.local [hbm:s7], s20  }
0xa4: {  	_ =	swait.ge [sflag:s22], s20  }
0xa5: {  	s6 =	ssub.s32 $0x0, s20;
	[sflag:s22] =	ssyncset.done $0x0  }
0xa6: {  	[sflag:s22] =	ssyncadd.s32 s6;
	_ =	sdelay $0x1  }
0xa7: {  	s23 =	simm.s32 $0x1B8B  }
0xa8: {  	_ =	swait.ge [sflag:s23], $0x1  }
0xa9: {  	[sflag:s23] =	ssyncset.done $0x0  }
0xaa: {  	s25 =	simm.s32 $0x1B8E;
	s24 =	sld [smem:$0x3FFE];
	[sflag:s23] =	ssyncadd.s32 $0xFFFFFFFF  }
0xab: {  	s26 =	simm.s32 $execute0_lowered;
	[smem:$0x3FD2] =	sst s25  }
0xac: {  	s7 =	sshll.u32 s26, $0x1;
	_ =	strace $0x80000046;
	[dreg:$0x1] =	wrdreg $0xFFFFFFFF  }
0xad: {  	s28 =	simm.s32 $_size_execute0_lowered;
	s5 =	sadd.s32 s5, s7;
	[dreg:$0x0] =	wrdreg $0x0  }
0xae: {  	s7 =	sshll.u32 s28, $0x1;
	[dreg:$0x2] =	wrdreg s5  }
0xaf: {  	[dreg:$0x3] =	wrdreg s7  }
0xb0: {  	[dreg:$0x4] =	wrdreg $0xC0  }
0xb1: {  	_ =	task [dreg:s9], $0x5FFFF  }
0xb2: {  	[dreg:$0x1] =	wrdreg $0xFFFFFFFF  }
0xb3: {  	[dreg:$0x0] =	wrdreg $0x60  }
0xb4: {  	[dreg:$0x2] =	wrdreg s24  }
0xb5: {  	[dreg:$0x3] =	wrdreg s18  }
0xb6: {  	[dreg:$0x4] =	wrdreg s16  }
0xb7: {  	[dreg:$0x5] =	wrdreg s17  }
0xb8: {  	[dreg:$0x6] =	wrdreg $0xDC200  }
0xb9: {  	[dreg:$0x7] =	wrdreg $0x9  }
0xba: {  	_ =	task.clear_ibuf [dreg:s9], $0x8FFFF;
	_ =	strace $0x90000046  }
0xbb: {  	s29 =	simm.s32 $0x9;
	_ =	strace $0x80000048  }
0xbc: {  	_ =	swait.ge [sflag:s29], $0x1  }
0xbd: {  	[sflag:s29] =	ssyncadd.s32 $0xFFFFFFFF  }
0xbe: {  	_ =	strace $0x90000048  }
0xbf: {  	_ =	sfence  }
0xc0: {  	s30 =	sld [smem:$0x0];
	_ =	sdelay $0x2  }
0xc1: {  	s31 =	sshll.u32 s1, $0xD;
	s1 =	sshrl.u32 s1, $0x2  }
0xc2: {  	s3 =	sand.u32 $0x4000, s31;
	s1 =	sadd.s32 s1, s30  }
0xc3: {  	s0 =	sor.u32 s3, s0;
	s1 =	sshll.u32 s1, $0x11  }
0xc4: {  	s0 =	sor.u32 s1, s0  }
0xc5: {  	s0 =	sadd.s32 $0x8F2B, s0  }
0xc6: {  	[sflag:s0] =	ssyncadd.remote.s32 $0x1  }
0xc7: {  	_ =	sfence.sel $0xFFFF  }
0xc8: {  	[dreg:$0x0] =	wrdreg $0xFFFFFFFF;
	(pc) =	sbr.abs _section_cstart, $3  }
0xc9: {  	[dreg:$0x1] =	wrdreg $0xFFFFFFFF  }
0xca: {  	_ =	task.clear_ibuf [dreg:s9], $0x2FFFF;
	_ =	strace $0x9FFFFFFF  }
0xcb: {  	(tm) =	ssettm $0x7FFFFFFF  }
tec
execute0_lowered:
.L_overlay_start_1:
0x0: {  	(tag) =	ssettag $0x1  }
0x1: {  	s10 =	rddreg [dreg:$0x0]  }
0x2: {  	s0 =	rddreg [dreg:$0x1]  }
0x3: {  	s1 =	rddreg [dreg:$0x2]  }
0x4: {  	s2 =	srdreg.scid;
	s11 =	rddreg [dreg:$0x3]  }
0x5: {  	s13 =	stileid.u32;
	s3 =	rddreg [dreg:$0x4];
	s4 =	simm.s32 $0x0  }
0x6: {  	s15 =	simm.s32 $0xDC00;
	s9 =	sand.u32 $0x1, s2;
	s2 =	rddreg [dreg:$0x5]  }
0x7: {  	s18 =	simm.s32 $0x0;
	s29 =	sshll.u32 s13, $0x1;
	[smem:$0x7FF] =	sst s4  }
0x8: {  	p0 =	sne.s32 s13, $0x0;
	s13 =	simm.s32 $0x1;
	s17 =	sor.u32 s9, s29  }
0x9: {  	_ =	strace $0x80000047;
	s7 =	ssub.s32 $0x2, s9;
	s31 =	sshll.u32 s9, $0xA  }
0xa: {  	s9 =	sadd.s32 $0x9F80, s10;
	s16 =	sshrl.u32 @!p0 s3, $0x3;
	s5 =	smul.u32 $0x1400, s17  }
0xb: {  	s30 =	sshrl.u32 s7, $0x1;
	s11 =	sadd.s32 s11, s31;
	p1 =	seq.s32 s17, $0x1F  }
0xc: {  	s17 =	simm.s32 $0x80;
	s6 =	sshrl.u32 s5, $0x3;
	s8 =	sadd.s32 s5, s10  }
0xd: {  	s14 =	ssub.s32 s7, s30;
	s12 =	sadd.s32 s6, s10;
	s6 =	sadd.s32 $0x280200, s8  }
0xe: {  	v0 =	vlaneseq.u32;
	s10 =	sadd.s32 $0xEF80, s10;
	s5 =	sadd.s32 $0x200, s12;
	s7 =	sadd.s32 $0x5200, s12  }
0xf: {  	v0 =	vmul.u32 $0x8, v0;
	s8 =	sadd.s32 $0xA200, s12;
	s12 =	smax.u32 s14, $0x1;
	s14 =	simm.s32 $0x1400  }
.LBB2_1:
0x10: {  	[tilespmem:s4], [sflag:$0x1] =	stream.linear.gather [hbm4b:s5+s4], $0x1400, $0x38;
	[tilespmem:$0xDE28] =	vst v63  }
0x11: {  	_ =	swait.ge [sflag:s13], $0x1400  }
0x12: {  	[sflag:s13] =	ssyncset.done $0x0  }
0x13: {  	[sflag:s13] =	ssyncadd.s32 $0xFFFFEC00  }
0x14: {  	[tilespmem:s14], [sflag:$0x1] =	stream.linear.gather [hbm4b:s6+s4], $0xA000, $0x38;
	[tilespmem:$0xDE28] =	vst v63  }
0x15: {  	_ =	swait.ge [sflag:s13], $0xA000  }
0x16: {  	[sflag:s13] =	ssyncset.done $0x0  }
0x17: {  	[sflag:s13] =	ssyncadd.s32 $0xFFFF6000  }
0x18: {  	[tilespmem:s15], [sflag:$0x1] =	stream.linear.gather [hbm4b:s0+s4], $0x20, $0x38;
	[tilespmem:$0xDE28] =	vst v63  }
0x19: {  	_ =	swait.ge [sflag:s13], $0x20  }
0x1a: {  	[sflag:s13] =	ssyncset.done $0x0  }
0x1b: {  	s19 =	simm.s32 @!p0 $0x1C01;
	[sflag:s13] =	ssyncadd.s32 $0xFFFFFFE0  }
0x1c: {  	v1 =	vmov s4;
	[spmem:s16], [sflag:s19] =	dma.local @!p0 [hbm:s1], $0x401  }
0x1d: {  	v1 =	vshll.u32 v1, $0x3;
	s19 =	simm.s32 @!p0 $0x1  }
0x1e: {  	v4 =	vor.u32 v0, v1;
	_ =	swait.ge @!p0 [sflag:s19], $0x401  }
0x1f: {  	v3 =	vor.u32 $0x1, v4;
	[sflag:s19] =	ssyncset.done @!p0 $0x0  }
0x20: {  	[sflag:s19] =	ssyncadd.s32 @!p0 $0xFFFFFBFF  }
0x21: {  	v1 =	vld [tilespmem:$0xDC00]  }
0x22: {  	v2 =	vld [tilespmem:$0xDC10]  }
0x23: {  	v5 =	vld.idx.msk [tilespmem:v4+s14+$0x0], $0xffff  }
0x24: {  	v6 =	vld.idx.msk [tilespmem:v3+s14+$0x0], $0xffff;
	_ =	sdelay $0x4  }
0x25: {  	v7 =	vadd.f32 v5, v1;
	v6 =	vadd.f32 v6, v2;
	_ =	sdelay $0x1  }
0x26: {  	v5 =	vmul.f32 v7, v7;
	v8 =	vmul.f32 v6, v6;
	_ =	sdelay $0x1  }
0x27: {  	v5 =	vadd.f32 v8, v5;
	_ =	sdelay $0x1  }
0x28: {  	(erf) = vrcp.f32 v5;
	_ =	sdelay $0x8  }
0x29: {  	v9 =	vadd.f32 v6, v7;
	v10 =	vpop (erf)  }
0x2a: {  	s19 =	simm.s32 $0xB400;
	v10 =	vmul.f32 v10, v8  }
0x2b: {  	s20 =	simm.s32 $0xC800;
	v11 =	vor.u32 $0x2, v4;
	[tilespmem:s19+$0x0] =	vst v9  }
0x2c: {  	s21 =	simm.s32 $0x10;
	v63 =	vor.u32 $0x3, v4;
	[tilespmem:s20+$0x0] =	vst v10  }
0x2d: {  	v12 =	vmov s21;
	[tilespmem:v4+s14+$0x0] =	vst.idx.msk $0xffff, v7  }
0x2e: {  	v7 =	vshll.u32 v12, $0x3;
	[tilespmem:v3+s14+$0x0] =	vst.idx.msk $0xffff, v6;
	v6 =	vor.u32 $0x4, v4  }
0x2f: {  	v3 =	vor.u32 v0, v7  }
0x30: {  	[tilespmem:v11+s14+$0x0] =	vst.idx.msk $0xffff, v10;
	v4 =	vor.u32 $0x1, v3  }
0x31: {  	s21 =	simm.s32 $0x20;
	[tilespmem:v63+s14+$0x0] =	vst.idx.msk $0xffff, v8  }
.LBB2_2:
0x32: {  	s19 =	sadd.s32 $0x10, s19  }
0x33: {  	[tilespmem:v6+s14+$0x0] =	vst.idx.msk $0xffff, v5;
	s20 =	sadd.s32 $0x10, s20;
	s22 =	smov.u32 s21;
	s23 =	sadd.s32 $0x10, s21  }
0x34: {  	p2 =	sne.s32 s21, $0x13F0;
	v5 =	vld.idx.msk [tilespmem:v3+s14+$0x0], $0xffff  }
0x35: {  	v6 =	vld.idx.msk [tilespmem:v4+s14+$0x0], $0xffff;
	_ =	sdelay $0x5  }
0x36: {  	v7 =	vadd.f32 v5, v1;
	v8 =	vadd.f32 v6, v2;
	_ =	sdelay $0x1  }
0x37: {  	v5 =	vmul.f32 v7, v7;
	v9 =	vmul.f32 v8, v8;
	v6 =	vadd.f32 v8, v7;
	_ =	sdelay $0x1  }
0x38: {  	v5 =	vadd.f32 v9, v5;
	_ =	sdelay $0x1  }
0x39: {  	(erf) = vrcp.f32 v5;
	_ =	sdelay $0x8  }
0x3a: {  	v10 =	vpop (erf)  }
0x3b: {  	v11 =	vor.u32 $0x2, v3;
	v10 =	vmul.f32 v10, v9  }
0x3c: {  	v13 =	vor.u32 $0x3, v3;
	v12 =	vmov s22;
	[tilespmem:s19+$0x0] =	vst v6  }
.Ltmp0:
0x3d: {  	v12 =	vshll.u32 v12, $0x3;
	v6 =	vor.u32 $0x4, v3;
	[tilespmem:s20+$0x0] =	vst v10;
	(pc) =	sbr.rel @p2 .LBB2_2-.Ltmp0, $4  }
0x3e: {  	[tilespmem:v3+s14+$0x0] =	vst.idx.msk $0xffff, v7;
	v3 =	vor.u32 v0, v12  }
0x3f: {  	[tilespmem:v4+s14+$0x0] =	vst.idx.msk $0xffff, v8;
	v4 =	vor.u32 $0x1, v3  }
0x40: {  	[tilespmem:v11+s14+$0x0] =	vst.idx.msk $0xffff, v10  }
0x41: {  	s21 =	smov.u32 s23;
	[tilespmem:v13+s14+$0x0] =	vst.idx.msk $0xffff, v9  }
0x42: {  	_ =	sdelay $0x3  }
0x43: {  	[tilespmem:v6+s14+$0x0] =	vst.idx.msk $0xffff, v5  }
0x44: {  	v5 =	vld.idx.msk [tilespmem:v3+s14+$0x0], $0xffff  }
0x45: {  	v6 =	vld.idx.msk [tilespmem:v4+s14+$0x0], $0xffff;
	_ =	sdelay $0x4  }
0x46: {  	v1 =	vadd.f32 v5, v1;
	v2 =	vadd.f32 v6, v2;
	_ =	sdelay $0x1  }
0x47: {  	v5 =	vmul.f32 v1, v1;
	v6 =	vmul.f32 v2, v2;
	_ =	sdelay $0x1  }
0x48: {  	v5 =	vadd.f32 v6, v5;
	_ =	sdelay $0x1  }
0x49: {  	(erf) = vrcp.f32 v5;
	_ =	sdelay $0x8  }
0x4a: {  	v7 =	vadd.f32 v2, v1;
	v8 =	vpop (erf)  }
0x4b: {  	s19 =	sadd.s32 $0x10, s19;
	v9 =	vor.u32 $0x2, v3;
	v8 =	vmul.f32 v8, v6  }
0x4c: {  	s20 =	sadd.s32 $0x10, s20;
	v63 =	vor.u32 $0x3, v3;
	[tilespmem:s19+$0x0] =	vst v7  }
0x4d: {  	v10 =	vor.u32 $0x4, v3;
	[tilespmem:s20+$0x0] =	vst v8  }
0x4e: {  	[tilespmem:v3+s14+$0x0] =	vst.idx.msk $0xffff, v1  }
0x4f: {  	[tilespmem:v4+s14+$0x0] =	vst.idx.msk $0xffff, v2  }
0x50: {  	[tilespmem:v9+s14+$0x0] =	vst.idx.msk $0xffff, v8  }
0x51: {  	[tilespmem:v63+s14+$0x0] =	vst.idx.msk $0xffff, v6  }
0x52: {  	s19 =	simm.s32 @p1 $0x0;
	s20 =	simm.s32 @p1 $0xB400;
	[tilespmem:v10+s14+$0x0] =	vst.idx.msk $0xffff, v5  }
0x53: {  	[hbm4b:s9+s19] =	stream.linear.scatter @p1 [tilespmem:s20], [sflag:$0x1], $0x500, $0x38;
	[tilespmem:$0xDE28] =	vst v63  }
0x54: {  	s20 =	simm.s32 @p1 $0x1  }
0x55: {  	_ =	swait.ge @p1 [sflag:s20], $0x500  }
0x56: {  	[sflag:s20] =	ssyncset.done @p1 $0x0  }
0x57: {  	s21 =	simm.s32 @p1 $0xC800;
	[sflag:s20] =	ssyncadd.s32 @p1 $0xFFFFFB00  }
0x58: {  	[hbm4b:s10+s19] =	stream.linear.scatter @p1 [tilespmem:s21], [sflag:$0x1], $0x500, $0x38;
	[tilespmem:$0xDE28] =	vst v63  }
0x59: {  	_ =	swait.ge @p1 [sflag:s20], $0x500  }
0x5a: {  	[sflag:s20] =	ssyncset.done @p1 $0x0  }
0x5b: {  	s19 =	simm.s32 @!p1 $0x0;
	[sflag:s20] =	ssyncadd.s32 @p1 $0xFFFFFB00;
	s20 =	simm.s32 @!p1 $0xB400  }
0x5c: {  	[hbm4b:s7+s19] =	stream.linear.scatter @!p1 [tilespmem:s20], [sflag:$0x1], $0x1400, $0x38;
	[tilespmem:$0xDE28] =	vst v63  }
0x5d: {  	s20 =	simm.s32 @!p1 $0x1  }
0x5e: {  	_ =	swait.ge @!p1 [sflag:s20], $0x1400  }
0x5f: {  	[sflag:s20] =	ssyncset.done @!p1 $0x0  }
0x60: {  	s21 =	simm.s32 @!p1 $0xC800;
	[sflag:s20] =	ssyncadd.s32 @!p1 $0xFFFFEC00  }
0x61: {  	[hbm4b:s8+s19] =	stream.linear.scatter @!p1 [tilespmem:s21], [sflag:$0x1], $0x1400, $0x38;
	[tilespmem:$0xDE28] =	vst v63  }
0x62: {  	_ =	swait.ge @!p1 [sflag:s20], $0x1400  }
0x63: {  	[sflag:s20] =	ssyncset.done @!p1 $0x0  }
0x64: {  	[sflag:s20] =	ssyncadd.s32 @!p1 $0xFFFFEC00  }
0x65: {  	s31 =	simm.s32 $0x0;
	s19 =	simm.s32 $0x1400;
	[bflag:$0x0] =	sbarrier.arrive $0xFFFF  }
0x66: {  	[spmem:s3] =	stream.indirect.scatter.add.f32 [tilespmem:s19], [sflag:$0x1], $0x8, s31, s17, $0xb8;
	[tilespmem:$0xDE28] =	vst v63  }
0x67: {  	_ =	swait.ge [sflag:s13], $0x400  }
0x68: {  	s20 =	simm.s32 $0x200;
	[sflag:s13] =	ssyncset.done $0x0  }
.LBB2_4:
0x69: {  	s21 =	sshra.s32 s20, $0x2  }
0x6a: {  	[sflag:s13] =	ssyncadd.s32 $0xFFFFFC00;
	s19 =	sadd.s32 $0x400, s19;
	p2 =	sne.s32 s20, $0x4E00  }
0x6b: {  	[spmem:s3] =	stream.indirect.scatter.add.f32 [tilespmem:s19], [sflag:$0x1], $0x8, s21, s17, $0xb8;
	[tilespmem:$0xDE28] =	vst v63  }
.Ltmp1:
0x6c: {  	_ = 	snop;
	(pc) =	sbr.rel @p2 .LBB2_4-.Ltmp1, $4  }
0x6d: {  	_ = 	snop  }
0x6e: {  	s20 =	sadd.s32 $0x200, s20  }
0x6f: {  	_ =	swait.ge [sflag:s13], $0x400  }
0x70: {  	[sflag:s13] =	ssyncset.done $0x0  }
0x71: {  	[sflag:s13] =	ssyncadd.s32 $0xFFFFFC00;
	s18 =	sadd.s32 $0x1, s18  }
0x72: {  	s19 =	simm.s32 @!p0 $0x1C01;
	[bflag:$0x0] =	sbarrier.arrive $0xFFFF;
	p2 =	sne.s32 s18, s12  }
0x73: {  	[hbm:s11], [sflag:s19] =	dma.local @!p0 [spmem:s16], $0x400  }
.Ltmp2:
0x74: {  	_ = 	snop;
	(pc) =	sbr.rel @p2 .LBB2_1-.Ltmp2, $4  }
0x75: {  	s19 =	simm.s32 @!p0 $0x1  }
0x76: {  	_ =	swait.ge @!p0 [sflag:s19], $0x400  }
0x77: {  	[sflag:s19] =	ssyncset.done @!p0 $0x0  }
0x78: {  	[sflag:s19] =	ssyncadd.s32 @!p0 $0xFFFFFC00  }
0x79: {  	_ =	sfence.sel $0x180000  }
0x7a: {  	[bflag:$0x0] =	sbarrier.arrive $0xFFFF  }
0x7b: {  	_ =	strace $0x90000047  }
0x7c: {  	s0 =	sadd.s32 @!p0 $0x100000, s2;
	[bflag:$0x2] =	sbarrier.arrive $0xFFFF  }
0x7d: {  	[sflag:s0] =	ssyncadd.tile.s32 @!p0 $0x1;
	_ =	shalt  }
.Lfunc_end2:
_tile_overlayer_lowered:
.L_overlay_start_2:
0x7e: {  	(tag) =	ssettag $0x2  }
0x7f: {  	s0 =	rddreg [dreg:$0x0];
	s2 =	stileid.u32  }
0x80: {  	s1 =	rddreg [dreg:$0x1];
	p0 =	sne.s32 s2, $0x0  }
0x81: {  	s3 =	rddreg [dreg:$0x2];
	[bflag:$0x3] =	sbarrier.arrive $0xFFFF;
	s2 =	simm.s32 @!p0 $0x1C01  }
0x82: {  	[timem:s3], [sflag:s2] =	dma.local @!p0 [hbm:s0], s1  }
0x83: {  	s0 =	simm.s32 @!p0 $0x1  }
0x84: {  	_ =	swait.ge @!p0 [sflag:s0], s1  }
0x85: {  	s1 =	ssub.s32 @!p0 $0x0, s1;
	[sflag:s0] =	ssyncset.done @!p0 $0x0  }
0x86: {  	[sflag:s0] =	ssyncadd.s32 @!p0 s1  }
0x87: {  	[bflag:$0x3] =	sbarrier.arrive $0xFFFF  }
0x88: {  	_ =	shalt  }

</sc_bundles>
